<compile_context>
chip_gen: v7x
topology: tpu7x:2x2x1
jax: 0.10.2.dev20260603
libtpu: 0.0.44.dev20260713+nightly
codegen_flags: <defaults>
</compile_context>

<pallas_src>
import functools
import jax
import jax.numpy as jnp
from jax import lax
from jax.experimental import pallas as pl
from jax.experimental.pallas import tpu as pltpu
from jax.experimental.pallas import tpu_sc as plsc

N = 10000
E = 320000
D = 128

NC = 2
NS = 16
NW = NC * NS
EPW = E // NW
K = 64
NCH = 160
NPAD = N + 16
NSLOT = 4
NGRP = NCH // NSLOT
OUT_TILES = 10
OSL = N // OUT_TILES
ZV = 1008
OST = [K] * (OSL // K) + ([OSL % K] if OSL % K else [])


def _zero_vmem_2d(ref, nrows, ncols):
  zv = jnp.zeros((16,), jnp.float32)
  def body(r, _):
    for c in range(ncols // 16):
      ref[r, pl.ds(c * 16, 16)] = zv
    return 0
  lax.fori_loop(0, nrows, body, 0)


def _zero_vmem_1d(ref, n):
  zv = jnp.zeros((16,), jnp.float32)
  def body(i, _):
    ref[pl.ds(i * 16, 16)] = zv
    return 0
  lax.fori_loop(0, n // 16, body, 0)



def _deg_body(dst_hbm, degp_hbm, *sc):
  deg_sh = sc[0]
  ones_v = sc[1]
  dsti = sc[2:2 + NSLOT]
  zvec = sc[2 + NSLOT]
  isem = sc[3 + NSLOT:3 + 2 * NSLOT]
  ssem = sc[3 + 2 * NSLOT:3 + 3 * NSLOT]

  cid = lax.axis_index("c")
  sid = lax.axis_index("s")
  wid = cid * NS + sid
  base = wid * NCH * K

  ov = jnp.ones((16,), jnp.float32)
  for i in range(K // 16):
    ones_v[pl.ds(i * 16, 16)] = ov

  @pl.when(sid < OUT_TILES)
  def _():
    _zero_vmem_1d(zvec, ZV)
    pltpu.sync_copy(zvec.at[pl.ds(0, OSL)], deg_sh.at[pl.ds(sid * OSL, OSL)])

  plsc.subcore_barrier()

  for b in range(NSLOT):
    pltpu.async_copy(dst_hbm.at[pl.ds(base + b * K, K)], dsti[b], isem[b])

  def grp(g, _):
    j0 = g * NSLOT
    for b in range(NSLOT):
      pltpu.make_async_copy(dst_hbm.at[pl.ds(base, K)], dsti[b],
                            isem[b]).wait()
      pltpu.async_copy(ones_v, deg_sh.at[dsti[b]], ssem[b], add=True)
    for b in range(NSLOT):
      pltpu.make_async_copy(ones_v, deg_sh.at[dsti[b]], ssem[b]).wait()
      @pl.when(g < NGRP - 1)
      def _():
        pltpu.async_copy(
            dst_hbm.at[pl.ds(base + (j0 + NSLOT + b) * K, K)],
            dsti[b], isem[b])
    return 0
  lax.fori_loop(0, NGRP, grp, 0)

  plsc.subcore_barrier()

  @pl.when(sid < OUT_TILES)
  def _():
    pltpu.sync_copy(deg_sh.at[pl.ds(sid * OSL, OSL)], zvec.at[pl.ds(0, OSL)])
    pltpu.sync_copy(zvec.at[pl.ds(0, OSL)],
                    degp_hbm.at[pl.ds(cid * N + sid * OSL, OSL)])


@jax.jit
def _sc_degree(dst):
  mesh = plsc.VectorSubcoreMesh(core_axis_name="c", subcore_axis_name="s",
                                num_cores=NC, num_subcores=NS)
  scratch = [
      pltpu.VMEM_SHARED((NPAD,), jnp.float32),
      pltpu.VMEM((K,), jnp.float32),
  ]
  scratch += [pltpu.VMEM((K,), jnp.int32) for _ in range(NSLOT)]
  scratch += [pltpu.VMEM((ZV,), jnp.float32)]
  scratch += [pltpu.SemaphoreType.DMA for _ in range(2 * NSLOT)]
  return pl.kernel(
      _deg_body,
      out_type=jax.ShapeDtypeStruct((NC * N,), jnp.float32),
      mesh=mesh,
      scratch_types=scratch,
  )(dst)



def _agg_body(src_hbm, dst_hbm, y_hbm, dinv_hbm, accp_hbm, saccp_hbm,
              *sc):
  acc_sh, sacc_sh = sc[0:2]
  o = 2
  rows = sc[o:o + NSLOT]; o += NSLOT
  srci = sc[o:o + NSLOT]; o += NSLOT
  dsti = sc[o:o + NSLOT]; o += NSLOT
  dval = sc[o:o + NSLOT]; o += NSLOT
  zvec = sc[o]; o += 1
  isem = sc[o:o + NSLOT]; o += NSLOT
  gsem = sc[o:o + NSLOT]; o += NSLOT
  ssem = sc[o:o + NSLOT]; o += NSLOT

  cid = lax.axis_index("c")
  sid = lax.axis_index("s")
  wid = cid * NS + sid
  base = wid * NCH * K

  def i_issue(j, b):
    pltpu.async_copy(src_hbm.at[pl.ds(base + j * K, K)], srci[b], isem[b])
    pltpu.async_copy(dst_hbm.at[pl.ds(base + j * K, K)], dsti[b], isem[b])

  def i_wait(j, b):
    pltpu.make_async_copy(src_hbm.at[pl.ds(base, K)], srci[b], isem[b]).wait()
    pltpu.make_async_copy(dst_hbm.at[pl.ds(base, K)], dsti[b], isem[b]).wait()

  def g_issue(b):
    pltpu.async_copy(y_hbm.at[srci[b]], rows[b], gsem[b])
    pltpu.async_copy(dinv_hbm.at[srci[b]], dval[b], gsem[b])

  def g_wait(b):
    pltpu.make_async_copy(y_hbm.at[srci[b]], rows[b], gsem[b]).wait()
    pltpu.make_async_copy(dinv_hbm.at[srci[b]], dval[b], gsem[b]).wait()

  def s_issue(b):
    pltpu.async_copy(rows[b], acc_sh.at[dsti[b]], ssem[b], add=True)
    pltpu.async_copy(dval[b], sacc_sh.at[dsti[b]], ssem[b], add=True)

  def s_wait(b):
    pltpu.make_async_copy(rows[b], acc_sh.at[dsti[b]], ssem[b]).wait()
    pltpu.make_async_copy(dval[b], sacc_sh.at[dsti[b]], ssem[b]).wait()

  @pl.when(sid < OUT_TILES)
  def _():
    _zero_vmem_2d(rows[0], K, D)
    _zero_vmem_1d(zvec, ZV)
    r0 = sid * OSL
    off = 0
    for ln in OST:
      pltpu.sync_copy(rows[0].at[pl.ds(0, ln)],
                      acc_sh.at[pl.ds(r0 + off, ln)])
      off += ln
    pltpu.sync_copy(zvec.at[pl.ds(0, OSL)], sacc_sh.at[pl.ds(r0, OSL)])

  @pl.when(sid == OUT_TILES)
  def _():
    _zero_vmem_2d(rows[0], NPAD - N, D)
    _zero_vmem_1d(zvec, ZV)
    pltpu.sync_copy(rows[0].at[pl.ds(0, NPAD - N)],
                    acc_sh.at[pl.ds(N, NPAD - N)])
    pltpu.sync_copy(zvec.at[pl.ds(0, NPAD - N)],
                    sacc_sh.at[pl.ds(N, NPAD - N)])

  plsc.subcore_barrier()

  for b in range(NSLOT):
    i_issue(b, b)

  def grp(g, _):
    j0 = g * NSLOT
    for b in range(NSLOT):
      i_wait(j0 + b, b)
      g_issue(b)
    for b in range(NSLOT):
      g_wait(b)
      s_issue(b)
    for b in range(NSLOT):
      s_wait(b)
      @pl.when(g < NGRP - 1)
      def _():
        i_issue(j0 + NSLOT + b, b)
    return 0
  lax.fori_loop(0, NGRP, grp, 0)

  plsc.subcore_barrier()

  @pl.when(sid < OUT_TILES)
  def _():
    r0 = sid * OSL
    off = 0
    offs = []
    for k, ln in enumerate(OST):
      offs.append((off, ln))
      if k >= 2:
        poff, pln = offs[k - 2]
        pltpu.make_async_copy(
            rows[k % 2].at[pl.ds(0, pln)],
            accp_hbm.at[cid, pl.ds(r0 + poff, pln)], gsem[k % 2]).wait()
      pltpu.sync_copy(acc_sh.at[pl.ds(r0 + off, ln)],
                      rows[k % 2].at[pl.ds(0, ln)])
      pltpu.async_copy(rows[k % 2].at[pl.ds(0, ln)],
                       accp_hbm.at[cid, pl.ds(r0 + off, ln)], gsem[k % 2])
      off += ln
    for k in (len(OST) - 2, len(OST) - 1):
      poff, pln = offs[k]
      pltpu.make_async_copy(
          rows[k % 2].at[pl.ds(0, pln)],
          accp_hbm.at[cid, pl.ds(r0 + poff, pln)], gsem[k % 2]).wait()
    pltpu.sync_copy(sacc_sh.at[pl.ds(r0, OSL)], zvec.at[pl.ds(0, OSL)])
    pltpu.sync_copy(zvec.at[pl.ds(0, OSL)],
                    saccp_hbm.at[pl.ds(cid * N + r0, OSL)])


@jax.jit
def _sc_aggregate(src, dst, y, dinv):
  mesh = plsc.VectorSubcoreMesh(core_axis_name="c", subcore_axis_name="s",
                                num_cores=NC, num_subcores=NS)
  scratch = [
      pltpu.VMEM_SHARED((NPAD, D), jnp.float32),
      pltpu.VMEM_SHARED((NPAD,), jnp.float32),
  ]
  scratch += [pltpu.VMEM((K, D), jnp.float32) for _ in range(NSLOT)]
  scratch += [pltpu.VMEM((K,), jnp.int32) for _ in range(2 * NSLOT)]
  scratch += [pltpu.VMEM((K,), jnp.float32) for _ in range(NSLOT)]
  scratch += [pltpu.VMEM((ZV,), jnp.float32)]
  scratch += [pltpu.SemaphoreType.DMA for _ in range(3 * NSLOT)]
  return pl.kernel(
      _agg_body,
      out_type=(jax.ShapeDtypeStruct((NC, N, D), jnp.float32),
                jax.ShapeDtypeStruct((NC * N,), jnp.float32)),
      mesh=mesh,
      scratch_types=scratch,
  )(src, dst, y, dinv)



def _prescale_body(degp_ref, x_ref, dinv_ref, y_ref):
  deg = degp_ref[0, :] + degp_ref[1, :]
  dinv = jnp.where(deg > 0.0,
                   lax.rsqrt(jnp.maximum(deg, 1.0)),
                   0.0)
  dinv2 = dinv[:, None]
  dinv_ref[pl.ds(0, N), :] = dinv2
  dinv_ref[pl.ds(N, NPAD - N), :] = jnp.zeros((NPAD - N, 1), jnp.float32)
  y_ref[pl.ds(0, N), :] = x_ref[:] * dinv2
  y_ref[pl.ds(N, NPAD - N), :] = jnp.zeros((NPAD - N, D), jnp.float32)


@jax.jit
def _tc_prescale(degp, x):
  return pl.pallas_call(
      _prescale_body,
      out_shape=(jax.ShapeDtypeStruct((NPAD, 1), jnp.float32),
                 jax.ShapeDtypeStruct((NPAD, D), jnp.float32)),
  )(degp, x)



def _head_body(accp_ref, saccp_ref, dinv_ref,
               g1w1_ref, g1b1_ref, g2w1_ref, g2b1_ref,
               p1w_ref, p1b_ref, p2w_ref, p2b_ref, p3w_ref, p3b_ref,
               cw_ref, cb_ref, out_ref):
  dinv = dinv_ref[pl.ds(0, N), :]
  agg = (accp_ref[0] + accp_ref[1]) * dinv
  s = (saccp_ref[0] + saccp_ref[1]) * dinv

  dot = functools.partial(jnp.dot, preferred_element_type=jnp.float32)
  h1 = jnp.maximum(dot(agg, g1w1_ref[:]) + s * g1b1_ref[:], 0.0)
  h2 = jnp.maximum(dot(agg, g2w1_ref[:]) + s * g2b1_ref[:], 0.0)

  wfull = dot(p1w_ref[:], dot(p2w_ref[:], dot(p3w_ref[:], cw_ref[:])))
  b_eff = (dot(dot(dot(p1b_ref[:], p2w_ref[:]) + p2b_ref[:], p3w_ref[:])
               + p3b_ref[:], cw_ref[:]) + cb_ref[:])

  out_ref[:] = (dot(h1, wfull[:64, :]) + dot(h2, wfull[64:, :]) + b_eff)


@jax.jit
def _tc_head(accp, saccp, dinv, g1w1, g1b1, g2w1, g2b1,
             p1w, p1b, p2w, p2b, p3w, p3b, cw, cb):
  return pl.pallas_call(
      _head_body,
      out_shape=jax.ShapeDtypeStruct((N, 1), jnp.float32),
  )(accp, saccp, dinv, g1w1, g1b1, g2w1, g2b1,
    p1w, p1b, p2w, p2b, p3w, p3b, cw, cb)



def kernel(x, edge_index, g1w1, g1b1, g1w2, g1b2, g2w1, g2b1, g2w2, g2b2,
           p1w, p1b, p2w, p2b, p3w, p3b, cw, cb):
  pad = jnp.full((NW, NCH * K - EPW), N, dtype=jnp.int32)
  src_flat = jnp.concatenate([edge_index[0].reshape(NW, EPW), pad],
                             axis=1).reshape(NW * NCH * K)
  dst_flat = jnp.concatenate([edge_index[1].reshape(NW, EPW), pad],
                             axis=1).reshape(NW * NCH * K)

  degp = _sc_degree(dst_flat).reshape(NC, N)
  dinv, y = _tc_prescale(degp, x)
  accp, saccp_flat = _sc_aggregate(src_flat, dst_flat, y, dinv.reshape(NPAD))
  logits = _tc_head(accp, saccp_flat.reshape(NC, N)[:, :, None], dinv,
                    g1w1, g1b1[None, :], g2w1, g2b1[None, :],
                    p1w, p1b[None, :], p2w, p2b[None, :], p3w, p3b[None, :],
                    cw, cb[None, :])
  return logits

# --- scband reference (transcript-rebuilt; emitter-appended) ---
"""Pipeline reference for scband-syn-teacher-83013127897495 (READ-ONLY COPY).

The authoritative reference and input builder live on the scoring server;
editing this copy changes nothing except your own understanding.
"""

import jax, jax.numpy as jnp
import numpy as np

N_NODES = 10000
N_EDGES = 320000
IN_DIM = 128
HID_DIM = 64
OUT_DIM = 1


def setup_inputs(seed: int = 0) -> dict:
    key = jax.random.key(seed)
    ks = jax.random.split(key, 20)
    x = jax.random.normal(ks[0], (N_NODES, IN_DIM), dtype=jnp.float32)
    edge_index = jax.random.randint(ks[1], (2, N_EDGES), 0, N_NODES, dtype=jnp.int64 if jax.config.jax_enable_x64 else jnp.int32).astype(jnp.int32)
    def lin(k, fan_in, fan_out):
        s = 1.0 / np.sqrt(fan_in)
        kw, kb = jax.random.split(k)
        W = jax.random.uniform(kw, (fan_in, fan_out), minval=-s, maxval=s, dtype=jnp.float32)
        b = jax.random.uniform(kb, (fan_out,), minval=-s, maxval=s, dtype=jnp.float32)
        return W, b
    g1w1, g1b1 = lin(ks[2], IN_DIM, HID_DIM)
    g1w2, g1b2 = lin(ks[3], HID_DIM, OUT_DIM)
    g2w1, g2b1 = lin(ks[4], IN_DIM, HID_DIM)
    g2w2, g2b2 = lin(ks[5], HID_DIM, OUT_DIM)
    p1w, p1b = lin(ks[6], 2 * HID_DIM, HID_DIM)
    p2w, p2b = lin(ks[7], HID_DIM, HID_DIM)
    p3w, p3b = lin(ks[8], HID_DIM, HID_DIM)
    cw, cb = lin(ks[9], HID_DIM, OUT_DIM)
    return {"x": x, "edge_index": edge_index,
            "g1w1": g1w1, "g1b1": g1b1, "g1w2": g1w2, "g1b2": g1b2,
            "g2w1": g2w1, "g2b1": g2b1, "g2w2": g2w2, "g2b2": g2b2,
            "p1w": p1w, "p1b": p1b, "p2w": p2w, "p2b": p2b, "p3w": p3w, "p3b": p3b,
            "cw": cw, "cb": cb}


def _gcn_norm(edge_index, n):
    src, dst = edge_index[0], edge_index[1]
    ones = jnp.ones((edge_index.shape[1],), dtype=jnp.float32)
    deg = jax.ops.segment_sum(ones, dst, num_segments=n)
    dinv = jnp.where(deg > 0, 1.0 / jnp.sqrt(jnp.maximum(deg, 1.0)), 0.0)
    return dinv[src] * dinv[dst]


def _propagate(h, edge_index, norm, n):
    src, dst = edge_index[0], edge_index[1]
    msg = h[src] * norm[:, None]
    return jax.ops.segment_sum(msg, dst, num_segments=n)


def _gcn(x, edge_index, norm, w1, b1, w2, b2, n):
    h = _propagate(x @ w1 + b1, edge_index, norm, n)
    h = jax.nn.relu(h)
    out = _propagate(h @ w2 + b2, edge_index, norm, n)
    return h, out


def reference(x, edge_index, g1w1, g1b1, g1w2, g1b2, g2w1, g2b1, g2w2, g2b2, p1w, p1b, p2w, p2b, p3w, p3b, cw, cb):
    n = x.shape[0]
    norm = _gcn_norm(edge_index, n)
    h1, out1 = _gcn(x, edge_index, norm, g1w1, g1b1, g1w2, g1b2, n)
    h2, out2 = _gcn(x, edge_index, norm, g2w1, g2b1, g2w2, g2b2, n)
    h = jnp.concatenate([h1, h2], axis=-1)
    z = h @ p1w + p1b
    z = z @ p2w + p2b
    z = z @ p3w + p3b
    logits = z @ cw + cb
    return logits

if __name__ == "__main__":
    import jax
    _d = setup_inputs()
    print(jax.jit(kernel)(*tuple(_d.values())))

</pallas_src>

<mosaic_0001>
#map = affine_map<(d0, d1) -> (0)>
module attributes {stable_mosaic.version = 14 : i64} {
  func.func @_deg_body(%arg0: i32, %arg1: i32, %arg2: memref<327680xi32, #tpu.memory_space<hbm>>, %arg3: memref<20000xf32, #tpu.memory_space<hbm>>, %arg4: memref<10016xf32, #tpu.memory_space<vmem_shared>>, %arg5: memref<64xf32, #tpu.memory_space<vmem>>, %arg6: memref<64xi32, #tpu.memory_space<vmem>>, %arg7: memref<64xi32, #tpu.memory_space<vmem>>, %arg8: memref<64xi32, #tpu.memory_space<vmem>>, %arg9: memref<64xi32, #tpu.memory_space<vmem>>, %arg10: memref<1008xf32, #tpu.memory_space<vmem>>, %arg11: memref<!tpu.dma_semaphore, #tpu.memory_space<semaphore_mem>>, %arg12: memref<!tpu.dma_semaphore, #tpu.memory_space<semaphore_mem>>, %arg13: memref<!tpu.dma_semaphore, #tpu.memory_space<semaphore_mem>>, %arg14: memref<!tpu.dma_semaphore, #tpu.memory_space<semaphore_mem>>, %arg15: memref<!tpu.dma_semaphore, #tpu.memory_space<semaphore_mem>>, %arg16: memref<!tpu.dma_semaphore, #tpu.memory_space<semaphore_mem>>, %arg17: memref<!tpu.dma_semaphore, #tpu.memory_space<semaphore_mem>>, %arg18: memref<!tpu.dma_semaphore, #tpu.memory_space<semaphore_mem>>) attributes {dimension_semantics = [#tpu.dimension_semantics<core_parallel>, #tpu.dimension_semantics<subcore_parallel>], iteration_bounds = array<i64: 2, 16>, scalar_prefetch = 0 : i64, scratch_operands = 15 : i64, tpu.core_type = #tpu.core_type<sc_vector_subcore>, window_params = [{transform_indices = #map}, {transform_indices = #map}]} {
    %mul3A = arith.constant 16 : i32
    %mul3A_0 = arith.muli %arg0, %mul3A : i32
    %add3A = arith.addi %mul3A_0, %arg1 : i32
    %mul3A_1 = arith.constant 160 : i32
    %mul3A_2 = arith.muli %add3A, %mul3A_1 : i32
    %mul3A_3 = arith.constant 64 : i32
    %mul3A_4 = arith.muli %mul3A_2, %mul3A_3 : i32
    %broadcast_in_dim3A = arith.constant 1.000000e+00 : f32
    %broadcast_in_dim3A_5 = vector.broadcast %broadcast_in_dim3A : f32 to vector<16xf32>
    %swap3A = arith.constant 0 : index
    %swap3A_6 = tpu.vector_load %arg5[%swap3A] {strides = array<i32>} : memref<64xf32, #tpu.memory_space<vmem>>, vector<16xf32>,
    %swap3A_7 = vector.shape_cast %swap3A_6 : vector<16xf32> to vector<16xf32>
    %swap3A_8 = vector.shape_cast %broadcast_in_dim3A_5 : vector<16xf32> to vector<16xf32>
    tpu.vector_store %arg5[%swap3A], %swap3A_8 {strides = array<i32>} : memref<64xf32, #tpu.memory_space<vmem>>, vector<16xf32>,
    %swap3A_9 = arith.constant 16 : index
    %swap3A_10 = tpu.vector_load %arg5[%swap3A_9] {strides = array<i32>} : memref<64xf32, #tpu.memory_space<vmem>>, vector<16xf32>,
    %swap3A_11 = vector.shape_cast %swap3A_10 : vector<16xf32> to vector<16xf32>
    %swap3A_12 = vector.shape_cast %broadcast_in_dim3A_5 : vector<16xf32> to vector<16xf32>
    tpu.vector_store %arg5[%swap3A_9], %swap3A_12 {strides = array<i32>} : memref<64xf32, #tpu.memory_space<vmem>>, vector<16xf32>,
    %swap3A_13 = arith.constant 32 : index
    %swap3A_14 = tpu.vector_load %arg5[%swap3A_13] {strides = array<i32>} : memref<64xf32, #tpu.memory_space<vmem>>, vector<16xf32>,
    %swap3A_15 = vector.shape_cast %swap3A_14 : vector<16xf32> to vector<16xf32>
    %swap3A_16 = vector.shape_cast %broadcast_in_dim3A_5 : vector<16xf32> to vector<16xf32>
    tpu.vector_store %arg5[%swap3A_13], %swap3A_16 {strides = array<i32>} : memref<64xf32, #tpu.memory_space<vmem>>, vector<16xf32>,
    %swap3A_17 = arith.constant 48 : index
    %swap3A_18 = tpu.vector_load %arg5[%swap3A_17] {strides = array<i32>} : memref<64xf32, #tpu.memory_space<vmem>>, vector<16xf32>,
    %swap3A_19 = vector.shape_cast %swap3A_18 : vector<16xf32> to vector<16xf32>
    %swap3A_20 = vector.shape_cast %broadcast_in_dim3A_5 : vector<16xf32> to vector<16xf32>
    tpu.vector_store %arg5[%swap3A_17], %swap3A_20 {strides = array<i32>} : memref<64xf32, #tpu.memory_space<vmem>>, vector<16xf32>,
    %lt3A = arith.constant 10 : i32
    %lt3A_21 = arith.cmpi slt, %arg1, %lt3A : i32
    %convert_element_type3A = arith.extui %lt3A_21 : i1 to i32
    %cond3A = arith.constant 0 : i32
    %cond3A_22 = arith.cmpi ne, %convert_element_type3A, %cond3A : i32
    scf.if %cond3A_22 {
      %broadcast_in_dim3A_50 = arith.constant 0.000000e+00 : f32
      %broadcast_in_dim3A_51 = vector.broadcast %broadcast_in_dim3A_50 : f32 to vector<16xf32>
      %scan3A_52 = arith.constant 0 : i32
      %scan3A_53 = arith.constant 0 : i32
      %scan3A_54 = arith.constant 63 : i32
      %scan3A_55 = arith.addi %scan3A_53, %scan3A_54 : i32
      %scan3A_56 = arith.constant 1 : i32
      %scan3A_57 = scf.for %scan3A_61 = %scan3A_53 to %scan3A_55 step %scan3A_56 iter_args(%scan3A_62 = %scan3A_52) -> (i32)  : i32 {
        %mul3A_63 = arith.constant 16 : i32
        %mul3A_64 = arith.muli %scan3A_61, %mul3A_63 : i32
        %swap3A_65 = arith.index_cast %mul3A_64 : i32 to index
        %swap3A_66 = tpu.vector_load %arg10[%swap3A_65] {strides = array<i32>} : memref<1008xf32, #tpu.memory_space<vmem>>, vector<16xf32>,
        %swap3A_67 = vector.shape_cast %swap3A_66 : vector<16xf32> to vector<16xf32>
        %swap3A_68 = vector.shape_cast %broadcast_in_dim3A_51 : vector<16xf32> to vector<16xf32>
        tpu.vector_store %arg10[%swap3A_65], %swap3A_68 {strides = array<i32>} : memref<1008xf32, #tpu.memory_space<vmem>>, vector<16xf32>,
        %scan3A_69 = arith.constant 0 : i32
        scf.yield %scan3A_69 : i32
      }
      %scan3A_58 = arith.constant 63 : i32
      %mul3A_59 = arith.constant 1000 : i32
      %mul3A_60 = arith.muli %arg1, %mul3A_59 : i32
      "tpu.region"() ({
        %run_scoped3A = tpu.sem_alloc : memref<!tpu.dma_semaphore, #tpu.memory_space<semaphore_mem>>
        %dma_start3A_61 = arith.constant 0 : i32
        %dma_start3A_62 = tpu.memref_slice %arg10[%dma_start3A_61] : memref<1008xf32, #tpu.memory_space<vmem>> -> memref<1000xf32, #tpu.memory_space<vmem>>
        %dma_start3A_63 = tpu.memref_slice %arg4[%mul3A_60] : memref<10016xf32, #tpu.memory_space<vmem_shared>> -> memref<1000xf32, #tpu.memory_space<vmem_shared>>
        %dma_start3A_64 = tpu.memref_slice %arg4[%mul3A_60] : memref<10016xf32, #tpu.memory_space<vmem_shared>> -> memref<1000xf32, #tpu.memory_space<vmem_shared>>
        %dma_start3A_65 = arith.constant 0 : i32
        %dma_start3A_66 = tpu.memref_slice %arg10[%dma_start3A_65] : memref<1008xf32, #tpu.memory_space<vmem>> -> memref<1000xf32, #tpu.memory_space<vmem>>
        tpu.enqueue_dma source(%dma_start3A_66 : memref<1000xf32, #tpu.memory_space<vmem>>) target(%dma_start3A_64 : memref<1000xf32, #tpu.memory_space<vmem_shared>>) target_semaphore(%run_scoped3A : memref<!tpu.dma_semaphore, #tpu.memory_space<semaphore_mem>>)
        %dma_wait3A = arith.constant 0 : i32
        %dma_wait3A_67 = tpu.memref_slice %arg10[%dma_wait3A] : memref<1008xf32, #tpu.memory_space<vmem>> -> memref<1000xf32, #tpu.memory_space<vmem>>
        %dma_wait3A_68 = tpu.memref_slice %arg4[%mul3A_60] : memref<10016xf32, #tpu.memory_space<vmem_shared>> -> memref<1000xf32, #tpu.memory_space<vmem_shared>>
        %dma_wait3A_69 = tpu.memref_slice %arg4[%mul3A_60] : memref<10016xf32, #tpu.memory_space<vmem_shared>> -> memref<1000xf32, #tpu.memory_space<vmem_shared>>
        %dma_wait3A_70 = arith.constant 0 : i32
        %dma_wait3A_71 = tpu.memref_slice %arg10[%dma_wait3A_70] : memref<1008xf32, #tpu.memory_space<vmem>> -> memref<1000xf32, #tpu.memory_space<vmem>>
        tpu.wait_dma2 semaphore(%run_scoped3A : memref<!tpu.dma_semaphore, #tpu.memory_space<semaphore_mem>>) src(%dma_wait3A_71 : memref<1000xf32, #tpu.memory_space<vmem>>) dst(%dma_wait3A_69 : memref<1000xf32, #tpu.memory_space<vmem_shared>>)
        tpu.yield
      }) : () -> ()
    } else {
    }
    %barrier3A = arith.constant 0 : index
    tpu.barrier barrier_id(%barrier3A)
    %add3A_23 = arith.constant 0 : i32
    %add3A_24 = arith.addi %mul3A_4, %add3A_23 : i32
    %dma_start3A = tpu.memref_slice %arg2[%add3A_24] : memref<327680xi32, #tpu.memory_space<hbm>> -> memref<64xi32, #tpu.memory_space<hbm>>
    %dma_start3A_25 = tpu.memref_slice %arg2[%add3A_24] : memref<327680xi32, #tpu.memory_space<hbm>> -> memref<64xi32, #tpu.memory_space<hbm>>
    tpu.enqueue_dma source(%dma_start3A_25 : memref<64xi32, #tpu.memory_space<hbm>>) target(%arg6 : memref<64xi32, #tpu.memory_space<vmem>>) target_semaphore(%arg11 : memref<!tpu.dma_semaphore, #tpu.memory_space<semaphore_mem>>)
    %add3A_26 = arith.constant 64 : i32
    %add3A_27 = arith.addi %mul3A_4, %add3A_26 : i32
    %dma_start3A_28 = tpu.memref_slice %arg2[%add3A_27] : memref<327680xi32, #tpu.memory_space<hbm>> -> memref<64xi32, #tpu.memory_space<hbm>>
    %dma_start3A_29 = tpu.memref_slice %arg2[%add3A_27] : memref<327680xi32, #tpu.memory_space<hbm>> -> memref<64xi32, #tpu.memory_space<hbm>>
    tpu.enqueue_dma source(%dma_start3A_29 : memref<64xi32, #tpu.memory_space<hbm>>) target(%arg7 : memref<64xi32, #tpu.memory_space<vmem>>) target_semaphore(%arg12 : memref<!tpu.dma_semaphore, #tpu.memory_space<semaphore_mem>>)
    %add3A_30 = arith.constant 128 : i32
    %add3A_31 = arith.addi %mul3A_4, %add3A_30 : i32
    %dma_start3A_32 = tpu.memref_slice %arg2[%add3A_31] : memref<327680xi32, #tpu.memory_space<hbm>> -> memref<64xi32, #tpu.memory_space<hbm>>
    %dma_start3A_33 = tpu.memref_slice %arg2[%add3A_31] : memref<327680xi32, #tpu.memory_space<hbm>> -> memref<64xi32, #tpu.memory_space<hbm>>
    tpu.enqueue_dma source(%dma_start3A_33 : memref<64xi32, #tpu.memory_space<hbm>>) target(%arg8 : memref<64xi32, #tpu.memory_space<vmem>>) target_semaphore(%arg13 : memref<!tpu.dma_semaphore, #tpu.memory_space<semaphore_mem>>)
    %add3A_34 = arith.constant 192 : i32
    %add3A_35 = arith.addi %mul3A_4, %add3A_34 : i32
    %dma_start3A_36 = tpu.memref_slice %arg2[%add3A_35] : memref<327680xi32, #tpu.memory_space<hbm>> -> memref<64xi32, #tpu.memory_space<hbm>>
    %dma_start3A_37 = tpu.memref_slice %arg2[%add3A_35] : memref<327680xi32, #tpu.memory_space<hbm>> -> memref<64xi32, #tpu.memory_space<hbm>>
    tpu.enqueue_dma source(%dma_start3A_37 : memref<64xi32, #tpu.memory_space<hbm>>) target(%arg9 : memref<64xi32, #tpu.memory_space<vmem>>) target_semaphore(%arg14 : memref<!tpu.dma_semaphore, #tpu.memory_space<semaphore_mem>>)
    %scan3A = arith.constant 0 : i32
    %scan3A_38 = arith.constant 0 : i32
    %scan3A_39 = arith.constant 40 : i32
    %scan3A_40 = arith.addi %scan3A_38, %scan3A_39 : i32
    %scan3A_41 = arith.constant 1 : i32
    %scan3A_42 = scf.for %scan3A_50 = %scan3A_38 to %scan3A_40 step %scan3A_41 iter_args(%scan3A_51 = %scan3A) -> (i32)  : i32 {
      %mul3A_52 = arith.constant 4 : i32
      %mul3A_53 = arith.muli %scan3A_50, %mul3A_52 : i32
      %dma_wait3A = tpu.memref_slice %arg2[%mul3A_4] : memref<327680xi32, #tpu.memory_space<hbm>> -> memref<64xi32, #tpu.memory_space<hbm>>
      %dma_wait3A_54 = tpu.memref_slice %arg2[%mul3A_4] : memref<327680xi32, #tpu.memory_space<hbm>> -> memref<64xi32, #tpu.memory_space<hbm>>
      tpu.wait_dma2 semaphore(%arg11 : memref<!tpu.dma_semaphore, #tpu.memory_space<semaphore_mem>>) src(%dma_wait3A_54 : memref<64xi32, #tpu.memory_space<hbm>>) dst(%arg6 : memref<64xi32, #tpu.memory_space<vmem>>)
      %dma_start3A_55 = arith.constant 0 : i32
      %dma_start3A_56 = tpu.memref_slice %arg4[%dma_start3A_55] : memref<10016xf32, #tpu.memory_space<vmem_shared>> -> memref<10016xf32, #tpu.memory_space<vmem_shared>>
      tpu.enqueue_indirect_dma source(%arg5 : memref<64xf32, #tpu.memory_space<vmem>>) target(%dma_start3A_56 : memref<10016xf32, #tpu.memory_space<vmem_shared>>) offsets(%arg6 : memref<64xi32, #tpu.memory_space<vmem>>) semaphore(%arg15 : memref<!tpu.dma_semaphore, #tpu.memory_space<semaphore_mem>>) {add = true}
      %dma_wait3A_57 = tpu.memref_slice %arg2[%mul3A_4] : memref<327680xi32, #tpu.memory_space<hbm>> -> memref<64xi32, #tpu.memory_space<hbm>>
      %dma_wait3A_58 = tpu.memref_slice %arg2[%mul3A_4] : memref<327680xi32, #tpu.memory_space<hbm>> -> memref<64xi32, #tpu.memory_space<hbm>>
      tpu.wait_dma2 semaphore(%arg12 : memref<!tpu.dma_semaphore, #tpu.memory_space<semaphore_mem>>) src(%dma_wait3A_58 : memref<64xi32, #tpu.memory_space<hbm>>) dst(%arg7 : memref<64xi32, #tpu.memory_space<vmem>>)
      %dma_start3A_59 = arith.constant 0 : i32
      %dma_start3A_60 = tpu.memref_slice %arg4[%dma_start3A_59] : memref<10016xf32, #tpu.memory_space<vmem_shared>> -> memref<10016xf32, #tpu.memory_space<vmem_shared>>
      tpu.enqueue_indirect_dma source(%arg5 : memref<64xf32, #tpu.memory_space<vmem>>) target(%dma_start3A_60 : memref<10016xf32, #tpu.memory_space<vmem_shared>>) offsets(%arg7 : memref<64xi32, #tpu.memory_space<vmem>>) semaphore(%arg16 : memref<!tpu.dma_semaphore, #tpu.memory_space<semaphore_mem>>) {add = true}
      %dma_wait3A_61 = tpu.memref_slice %arg2[%mul3A_4] : memref<327680xi32, #tpu.memory_space<hbm>> -> memref<64xi32, #tpu.memory_space<hbm>>
      %dma_wait3A_62 = tpu.memref_slice %arg2[%mul3A_4] : memref<327680xi32, #tpu.memory_space<hbm>> -> memref<64xi32, #tpu.memory_space<hbm>>
      tpu.wait_dma2 semaphore(%arg13 : memref<!tpu.dma_semaphore, #tpu.memory_space<semaphore_mem>>) src(%dma_wait3A_62 : memref<64xi32, #tpu.memory_space<hbm>>) dst(%arg8 : memref<64xi32, #tpu.memory_space<vmem>>)
      %dma_start3A_63 = arith.constant 0 : i32
      %dma_start3A_64 = tpu.memref_slice %arg4[%dma_start3A_63] : memref<10016xf32, #tpu.memory_space<vmem_shared>> -> memref<10016xf32, #tpu.memory_space<vmem_shared>>
      tpu.enqueue_indirect_dma source(%arg5 : memref<64xf32, #tpu.memory_space<vmem>>) target(%dma_start3A_64 : memref<10016xf32, #tpu.memory_space<vmem_shared>>) offsets(%arg8 : memref<64xi32, #tpu.memory_space<vmem>>) semaphore(%arg17 : memref<!tpu.dma_semaphore, #tpu.memory_space<semaphore_mem>>) {add = true}
      %dma_wait3A_65 = tpu.memref_slice %arg2[%mul3A_4] : memref<327680xi32, #tpu.memory_space<hbm>> -> memref<64xi32, #tpu.memory_space<hbm>>
      %dma_wait3A_66 = tpu.memref_slice %arg2[%mul3A_4] : memref<327680xi32, #tpu.memory_space<hbm>> -> memref<64xi32, #tpu.memory_space<hbm>>
      tpu.wait_dma2 semaphore(%arg14 : memref<!tpu.dma_semaphore, #tpu.memory_space<semaphore_mem>>) src(%dma_wait3A_66 : memref<64xi32, #tpu.memory_space<hbm>>) dst(%arg9 : memref<64xi32, #tpu.memory_space<vmem>>)
      %dma_start3A_67 = arith.constant 0 : i32
      %dma_start3A_68 = tpu.memref_slice %arg4[%dma_start3A_67] : memref<10016xf32, #tpu.memory_space<vmem_shared>> -> memref<10016xf32, #tpu.memory_space<vmem_shared>>
      tpu.enqueue_indirect_dma source(%arg5 : memref<64xf32, #tpu.memory_space<vmem>>) target(%dma_start3A_68 : memref<10016xf32, #tpu.memory_space<vmem_shared>>) offsets(%arg9 : memref<64xi32, #tpu.memory_space<vmem>>) semaphore(%arg18 : memref<!tpu.dma_semaphore, #tpu.memory_space<semaphore_mem>>) {add = true}
      %dma_wait3A_69 = arith.constant 0 : i32
      %dma_wait3A_70 = tpu.memref_slice %arg4[%dma_wait3A_69] : memref<10016xf32, #tpu.memory_space<vmem_shared>> -> memref<10016xf32, #tpu.memory_space<vmem_shared>>
      tpu.wait_indirect_dma semaphore(%arg15 : memref<!tpu.dma_semaphore, #tpu.memory_space<semaphore_mem>>) src(%arg5 : memref<64xf32, #tpu.memory_space<vmem>>) dst(%dma_wait3A_70 : memref<10016xf32, #tpu.memory_space<vmem_shared>>)
      %lt3A_71 = arith.constant 39 : i32
      %lt3A_72 = arith.cmpi slt, %scan3A_50, %lt3A_71 : i32
      %convert_element_type3A_73 = arith.extui %lt3A_72 : i1 to i32
      %cond3A_74 = arith.constant 0 : i32
      %cond3A_75 = arith.cmpi ne, %convert_element_type3A_73, %cond3A_74 : i32
      scf.if %cond3A_75 {
        %add3A_98 = arith.constant 4 : i32
        %add3A_99 = arith.addi %mul3A_53, %add3A_98 : i32
        %add3A_100 = arith.constant 0 : i32
        %add3A_101 = arith.addi %add3A_99, %add3A_100 : i32
        %mul3A_102 = arith.constant 64 : i32
        %mul3A_103 = arith.muli %add3A_101, %mul3A_102 : i32
        %add3A_104 = arith.addi %mul3A_4, %mul3A_103 : i32
        %dma_start3A_105 = tpu.memref_slice %arg2[%add3A_104] : memref<327680xi32, #tpu.memory_space<hbm>> -> memref<64xi32, #tpu.memory_space<hbm>>
        %dma_start3A_106 = tpu.memref_slice %arg2[%add3A_104] : memref<327680xi32, #tpu.memory_space<hbm>> -> memref<64xi32, #tpu.memory_space<hbm>>
        tpu.enqueue_dma source(%dma_start3A_106 : memref<64xi32, #tpu.memory_space<hbm>>) target(%arg6 : memref<64xi32, #tpu.memory_space<vmem>>) target_semaphore(%arg11 : memref<!tpu.dma_semaphore, #tpu.memory_space<semaphore_mem>>)
      } else {
      }
      %dma_wait3A_76 = arith.constant 0 : i32
      %dma_wait3A_77 = tpu.memref_slice %arg4[%dma_wait3A_76] : memref<10016xf32, #tpu.memory_space<vmem_shared>> -> memref<10016xf32, #tpu.memory_space<vmem_shared>>
      tpu.wait_indirect_dma semaphore(%arg16 : memref<!tpu.dma_semaphore, #tpu.memory_space<semaphore_mem>>) src(%arg5 : memref<64xf32, #tpu.memory_space<vmem>>) dst(%dma_wait3A_77 : memref<10016xf32, #tpu.memory_space<vmem_shared>>)
      %lt3A_78 = arith.constant 39 : i32
      %lt3A_79 = arith.cmpi slt, %scan3A_50, %lt3A_78 : i32
      %convert_element_type3A_80 = arith.extui %lt3A_79 : i1 to i32
      %cond3A_81 = arith.constant 0 : i32
      %cond3A_82 = arith.cmpi ne, %convert_element_type3A_80, %cond3A_81 : i32
      scf.if %cond3A_82 {
        %add3A_98 = arith.constant 4 : i32
        %add3A_99 = arith.addi %mul3A_53, %add3A_98 : i32
        %add3A_100 = arith.constant 1 : i32
        %add3A_101 = arith.addi %add3A_99, %add3A_100 : i32
        %mul3A_102 = arith.constant 64 : i32
        %mul3A_103 = arith.muli %add3A_101, %mul3A_102 : i32
        %add3A_104 = arith.addi %mul3A_4, %mul3A_103 : i32
        %dma_start3A_105 = tpu.memref_slice %arg2[%add3A_104] : memref<327680xi32, #tpu.memory_space<hbm>> -> memref<64xi32, #tpu.memory_space<hbm>>
        %dma_start3A_106 = tpu.memref_slice %arg2[%add3A_104] : memref<327680xi32, #tpu.memory_space<hbm>> -> memref<64xi32, #tpu.memory_space<hbm>>
        tpu.enqueue_dma source(%dma_start3A_106 : memref<64xi32, #tpu.memory_space<hbm>>) target(%arg7 : memref<64xi32, #tpu.memory_space<vmem>>) target_semaphore(%arg12 : memref<!tpu.dma_semaphore, #tpu.memory_space<semaphore_mem>>)
      } else {
      }
      %dma_wait3A_83 = arith.constant 0 : i32
      %dma_wait3A_84 = tpu.memref_slice %arg4[%dma_wait3A_83] : memref<10016xf32, #tpu.memory_space<vmem_shared>> -> memref<10016xf32, #tpu.memory_space<vmem_shared>>
      tpu.wait_indirect_dma semaphore(%arg17 : memref<!tpu.dma_semaphore, #tpu.memory_space<semaphore_mem>>) src(%arg5 : memref<64xf32, #tpu.memory_space<vmem>>) dst(%dma_wait3A_84 : memref<10016xf32, #tpu.memory_space<vmem_shared>>)
      %lt3A_85 = arith.constant 39 : i32
      %lt3A_86 = arith.cmpi slt, %scan3A_50, %lt3A_85 : i32
      %convert_element_type3A_87 = arith.extui %lt3A_86 : i1 to i32
      %cond3A_88 = arith.constant 0 : i32
      %cond3A_89 = arith.cmpi ne, %convert_element_type3A_87, %cond3A_88 : i32
      scf.if %cond3A_89 {
        %add3A_98 = arith.constant 4 : i32
        %add3A_99 = arith.addi %mul3A_53, %add3A_98 : i32
        %add3A_100 = arith.constant 2 : i32
        %add3A_101 = arith.addi %add3A_99, %add3A_100 : i32
        %mul3A_102 = arith.constant 64 : i32
        %mul3A_103 = arith.muli %add3A_101, %mul3A_102 : i32
        %add3A_104 = arith.addi %mul3A_4, %mul3A_103 : i32
        %dma_start3A_105 = tpu.memref_slice %arg2[%add3A_104] : memref<327680xi32, #tpu.memory_space<hbm>> -> memref<64xi32, #tpu.memory_space<hbm>>
        %dma_start3A_106 = tpu.memref_slice %arg2[%add3A_104] : memref<327680xi32, #tpu.memory_space<hbm>> -> memref<64xi32, #tpu.memory_space<hbm>>
        tpu.enqueue_dma source(%dma_start3A_106 : memref<64xi32, #tpu.memory_space<hbm>>) target(%arg8 : memref<64xi32, #tpu.memory_space<vmem>>) target_semaphore(%arg13 : memref<!tpu.dma_semaphore, #tpu.memory_space<semaphore_mem>>)
      } else {
      }
      %dma_wait3A_90 = arith.constant 0 : i32
      %dma_wait3A_91 = tpu.memref_slice %arg4[%dma_wait3A_90] : memref<10016xf32, #tpu.memory_space<vmem_shared>> -> memref<10016xf32, #tpu.memory_space<vmem_shared>>
      tpu.wait_indirect_dma semaphore(%arg18 : memref<!tpu.dma_semaphore, #tpu.memory_space<semaphore_mem>>) src(%arg5 : memref<64xf32, #tpu.memory_space<vmem>>) dst(%dma_wait3A_91 : memref<10016xf32, #tpu.memory_space<vmem_shared>>)
      %lt3A_92 = arith.constant 39 : i32
      %lt3A_93 = arith.cmpi slt, %scan3A_50, %lt3A_92 : i32
      %convert_element_type3A_94 = arith.extui %lt3A_93 : i1 to i32
      %cond3A_95 = arith.constant 0 : i32
      %cond3A_96 = arith.cmpi ne, %convert_element_type3A_94, %cond3A_95 : i32
      scf.if %cond3A_96 {
        %add3A_98 = arith.constant 4 : i32
        %add3A_99 = arith.addi %mul3A_53, %add3A_98 : i32
        %add3A_100 = arith.constant 3 : i32
        %add3A_101 = arith.addi %add3A_99, %add3A_100 : i32
        %mul3A_102 = arith.constant 64 : i32
        %mul3A_103 = arith.muli %add3A_101, %mul3A_102 : i32
        %add3A_104 = arith.addi %mul3A_4, %mul3A_103 : i32
        %dma_start3A_105 = tpu.memref_slice %arg2[%add3A_104] : memref<327680xi32, #tpu.memory_space<hbm>> -> memref<64xi32, #tpu.memory_space<hbm>>
        %dma_start3A_106 = tpu.memref_slice %arg2[%add3A_104] : memref<327680xi32, #tpu.memory_space<hbm>> -> memref<64xi32, #tpu.memory_space<hbm>>
        tpu.enqueue_dma source(%dma_start3A_106 : memref<64xi32, #tpu.memory_space<hbm>>) target(%arg9 : memref<64xi32, #tpu.memory_space<vmem>>) target_semaphore(%arg14 : memref<!tpu.dma_semaphore, #tpu.memory_space<semaphore_mem>>)
      } else {
      }
      %scan3A_97 = arith.constant 0 : i32
      scf.yield %scan3A_97 : i32
    }
    %scan3A_43 = arith.constant 40 : i32
    %barrier3A_44 = arith.constant 0 : index
    tpu.barrier barrier_id(%barrier3A_44)
    %lt3A_45 = arith.constant 10 : i32
    %lt3A_46 = arith.cmpi slt, %arg1, %lt3A_45 : i32
    %convert_element_type3A_47 = arith.extui %lt3A_46 : i1 to i32
    %cond3A_48 = arith.constant 0 : i32
    %cond3A_49 = arith.cmpi ne, %convert_element_type3A_47, %cond3A_48 : i32
    scf.if %cond3A_49 {
      %mul3A_50 = arith.constant 1000 : i32
      %mul3A_51 = arith.muli %arg1, %mul3A_50 : i32
      "tpu.region"() ({
        %run_scoped3A = tpu.sem_alloc : memref<!tpu.dma_semaphore, #tpu.memory_space<semaphore_mem>>
        %dma_start3A_57 = arith.constant 0 : i32
        %dma_start3A_58 = tpu.memref_slice %arg10[%dma_start3A_57] : memref<1008xf32, #tpu.memory_space<vmem>> -> memref<1000xf32, #tpu.memory_space<vmem>>
        %dma_start3A_59 = tpu.memref_slice %arg4[%mul3A_51] : memref<10016xf32, #tpu.memory_space<vmem_shared>> -> memref<1000xf32, #tpu.memory_space<vmem_shared>>
        %dma_start3A_60 = arith.constant 0 : i32
        %dma_start3A_61 = tpu.memref_slice %arg10[%dma_start3A_60] : memref<1008xf32, #tpu.memory_space<vmem>> -> memref<1000xf32, #tpu.memory_space<vmem>>
        %dma_start3A_62 = tpu.memref_slice %arg4[%mul3A_51] : memref<10016xf32, #tpu.memory_space<vmem_shared>> -> memref<1000xf32, #tpu.memory_space<vmem_shared>>
        tpu.enqueue_dma source(%dma_start3A_62 : memref<1000xf32, #tpu.memory_space<vmem_shared>>) target(%dma_start3A_61 : memref<1000xf32, #tpu.memory_space<vmem>>) target_semaphore(%run_scoped3A : memref<!tpu.dma_semaphore, #tpu.memory_space<semaphore_mem>>)
        %dma_wait3A = arith.constant 0 : i32
        %dma_wait3A_63 = tpu.memref_slice %arg10[%dma_wait3A] : memref<1008xf32, #tpu.memory_space<vmem>> -> memref<1000xf32, #tpu.memory_space<vmem>>
        %dma_wait3A_64 = tpu.memref_slice %arg4[%mul3A_51] : memref<10016xf32, #tpu.memory_space<vmem_shared>> -> memref<1000xf32, #tpu.memory_space<vmem_shared>>
        %dma_wait3A_65 = arith.constant 0 : i32
        %dma_wait3A_66 = tpu.memref_slice %arg10[%dma_wait3A_65] : memref<1008xf32, #tpu.memory_space<vmem>> -> memref<1000xf32, #tpu.memory_space<vmem>>
        %dma_wait3A_67 = tpu.memref_slice %arg4[%mul3A_51] : memref<10016xf32, #tpu.memory_space<vmem_shared>> -> memref<1000xf32, #tpu.memory_space<vmem_shared>>
        tpu.wait_dma2 semaphore(%run_scoped3A : memref<!tpu.dma_semaphore, #tpu.memory_space<semaphore_mem>>) src(%dma_wait3A_67 : memref<1000xf32, #tpu.memory_space<vmem_shared>>) dst(%dma_wait3A_66 : memref<1000xf32, #tpu.memory_space<vmem>>)
        tpu.yield
      }) : () -> ()
      %mul3A_52 = arith.constant 10000 : i32
      %mul3A_53 = arith.muli %arg0, %mul3A_52 : i32
      %mul3A_54 = arith.constant 1000 : i32
      %mul3A_55 = arith.muli %arg1, %mul3A_54 : i32
      %add3A_56 = arith.addi %mul3A_53, %mul3A_55 : i32
      "tpu.region"() ({
        %run_scoped3A = tpu.sem_alloc : memref<!tpu.dma_semaphore, #tpu.memory_space<semaphore_mem>>
        %dma_start3A_57 = arith.constant 0 : i32
        %dma_start3A_58 = tpu.memref_slice %arg10[%dma_start3A_57] : memref<1008xf32, #tpu.memory_space<vmem>> -> memref<1000xf32, #tpu.memory_space<vmem>>
        %dma_start3A_59 = tpu.memref_slice %arg3[%add3A_56] : memref<20000xf32, #tpu.memory_space<hbm>> -> memref<1000xf32, #tpu.memory_space<hbm>>
        %dma_start3A_60 = tpu.memref_slice %arg3[%add3A_56] : memref<20000xf32, #tpu.memory_space<hbm>> -> memref<1000xf32, #tpu.memory_space<hbm>>
        %dma_start3A_61 = arith.constant 0 : i32
        %dma_start3A_62 = tpu.memref_slice %arg10[%dma_start3A_61] : memref<1008xf32, #tpu.memory_space<vmem>> -> memref<1000xf32, #tpu.memory_space<vmem>>
        tpu.enqueue_dma source(%dma_start3A_62 : memref<1000xf32, #tpu.memory_space<vmem>>) target(%dma_start3A_60 : memref<1000xf32, #tpu.memory_space<hbm>>) target_semaphore(%run_scoped3A : memref<!tpu.dma_semaphore, #tpu.memory_space<semaphore_mem>>)
        %dma_wait3A = arith.constant 0 : i32
        %dma_wait3A_63 = tpu.memref_slice %arg10[%dma_wait3A] : memref<1008xf32, #tpu.memory_space<vmem>> -> memref<1000xf32, #tpu.memory_space<vmem>>
        %dma_wait3A_64 = tpu.memref_slice %arg3[%add3A_56] : memref<20000xf32, #tpu.memory_space<hbm>> -> memref<1000xf32, #tpu.memory_space<hbm>>
        %dma_wait3A_65 = tpu.memref_slice %arg3[%add3A_56] : memref<20000xf32, #tpu.memory_space<hbm>> -> memref<1000xf32, #tpu.memory_space<hbm>>
        %dma_wait3A_66 = arith.constant 0 : i32
        %dma_wait3A_67 = tpu.memref_slice %arg10[%dma_wait3A_66] : memref<1008xf32, #tpu.memory_space<vmem>> -> memref<1000xf32, #tpu.memory_space<vmem>>
        tpu.wait_dma2 semaphore(%run_scoped3A : memref<!tpu.dma_semaphore, #tpu.memory_space<semaphore_mem>>) src(%dma_wait3A_67 : memref<1000xf32, #tpu.memory_space<vmem>>) dst(%dma_wait3A_65 : memref<1000xf32, #tpu.memory_space<hbm>>)
        tpu.yield
      }) : () -> ()
    } else {
    }
    return
  }
}

</mosaic_0001>

<sc_bundles>
// kernel: _sc_degree.3.cloned.1.call-start
scs
__scs_entry_jumppad:
0x0: {  	(pc) =	sbr.rel $0x88, $3  }
0x1: {  	(tag) =	ssettag $0x0;
	lr =	simm.s32 $0x1  }
0x2: {  	[smem:$0x3FA0] =	sst lr;
	_ =	strace $0xD0000000  }
0x3: {  	_ = 	snop  }
0x4: {  	_ = 	snop  }
0x5: {  	_ = 	snop  }
0x6: {  	_ = 	snop  }
0x7: {  	_ = 	snop  }
__scs_overlays_trampoline_lowered:
0x8: {  	[smem:$0x3FAF] =	sst s0  }
0x9: {  	[smem:$0x3FB0] =	sst s1  }
0xa: {  	[smem:$0x3FB1] =	sst s2  }
0xb: {  	[smem:$0x3FB2] =	sst s3  }
0xc: {  	[smem:$0x3FB3] =	sst s4  }
0xd: {  	[smem:$0x3FB4] =	sst s5  }
0xe: {  	[smem:$0x3FB5] =	sst s6  }
0xf: {  	[smem:$0x3FB6] =	sst s7  }
0x10: {  	[smem:$0x3FB7] =	sst s8  }
0x11: {  	[smem:$0x3FB8] =	sst s9;
	s0 =	simm.s32 @!p0 $0x0  }
0x12: {  	s1 =	sld [smem:$0x3F9E];
	s0 =	simm.s32 @p0 $0x1  }
0x13: {  	[smem:$0x3FB9] =	sst s0;
	s0 =	simm.s32 @!p1 $0x0  }
0x14: {  	s2 =	sld [smem:$0x3F9D];
	s0 =	simm.s32 @p1 $0x1  }
0x15: {  	[smem:$0x3FBA] =	sst s0;
	s0 =	simm.s32 @!p2 $0x0  }
0x16: {  	s3 =	sld [smem:$0x3FDB];
	s0 =	simm.s32 @p2 $0x1  }
0x17: {  	s4 =	simm.s32 $0x1BF5;
	[smem:$0x3FBC] =	sst s0  }
0x18: {  	s0 =	sld [smem:$0x3F9F];
	_ =	swait.ge [sflag:s4], $0x0  }
0x19: {  	s7 =	sld [smem:$0x3FA0]  }
0x1a: {  	s8 =	sadd.s32 $0xFFFFE003, lr  }
0x1b: {  	s9 =	sadd.s32 $0xFFFFFEF7, lr;
	s5 =	simm.s32 $0xFFFFFFFF;
	p2 =	slt.u32 s8, $0xFFFFF086  }
0x1c: {  	p1 =	slt.u32 s9, $0xF7A;
	s5 =	simm.s32 @!p2 $0x0  }
0x1d: {  	s5 =	simm.s32 @p1 $0x1;
	p0 =	seq.s32 s7, s2  }
0x1e: {  	s7 =	smul.u32 @!p0 $0xF7A, s2;
	p2 =	seq.s32 @!p0 s5, $0x0  }
0x1f: {  	s9 =	smul.u32 $0xF7A, s1;
	s8 =	simm.s32 @!p0 $0x1BF5;
	p2 =	por !p2, p0  }
0x20: {  	[sflag:s8] =	ssyncset.s32 @!p0 $0xFFFFF086;
	s6 =	sadd.s32 @!p0 s3, s7;
	s7 =	simm.s32 @!p0 $0x108  }
0x21: {  	s3 =	sadd.s32 s3, s9;
	s6 =	sadd.s32 @!p0 $0x88, s6;
	s7 =	simm.s32 @p2 $0x1082  }
0x22: {  	[simem:s7], [sflag:s8] =	dma.local @!p0 [hbm:s6], $0xF7A  }
0x23: {  	s9 =	sor.u32 $0xD0000000, s2;
	s6 =	simm.s32 $0x108;
	_ =	swait.ge @!p0 [sflag:s8], $0x0  }
0x24: {  	s3 =	sadd.s32 $0x88, s3;
	s6 =	simm.s32 @!p1 $0x1082;
	[sflag:s4] =	ssyncset.s32 $0xFFFFF086  }
0x25: {  	[simem:s6], [sflag:s4] =	dma.local [hbm:s3], $0xF7A  }
0x26: {  	[smem:$0x3FA0] =	sst s1;
	(tag) =	ssettag s2;
	_ =	strace s9  }
0x27: {  	s1 =	sld [smem:$0x3FB0]  }
0x28: {  	s2 =	sld [smem:$0x3FB1]  }
0x29: {  	s4 =	sld [smem:$0x3FB3]  }
0x2a: {  	p0 =	seq.s32 s5, $0x0;
	s5 =	sld [smem:$0x3FB4]  }
0x2b: {  	s6 =	sld [smem:$0x3FB5]  }
0x2c: {  	s7 =	sld [smem:$0x3FB6]  }
0x2d: {  	s3 =	simm.s32 $0x108;
	s8 =	sld [smem:$0x3FB7]  }
0x2e: {  	s3 =	simm.s32 @!p0 $0x1082;
	s9 =	sld [smem:$0x3FB8]  }
0x2f: {  	lr =	sadd.s32 s0, s3;
	s0 =	sld [smem:$0x3FAF]  }
0x30: {  	s3 =	sld [smem:$0x3FB2]  }
0x31: {  	[smem:$0x3FBB] =	sst s10  }
0x32: {  	s10 =	sld [smem:$0x3FB9];
	_ =	sdelay $0x3  }
0x33: {  	p0 =	seq.s32 s10, $0x1;
	s10 =	sld [smem:$0x3FBB];
	_ =	sdelay $0x3  }
0x34: {  	[smem:$0x3FBB] =	sst s10  }
0x35: {  	s10 =	sld [smem:$0x3FBA];
	_ =	sdelay $0x3  }
0x36: {  	p1 =	seq.s32 s10, $0x1;
	s10 =	sld [smem:$0x3FBB];
	_ =	sdelay $0x3  }
0x37: {  	[smem:$0x3FBB] =	sst s10  }
0x38: {  	s10 =	sld [smem:$0x3FBC]  }
0x39: {  	_ = 	snop;
	(pc) =	sbr.ind lr, $3  }
0x3a: {  	_ = 	snop  }
0x3b: {  	_ = 	snop  }
0x3c: {  	p2 =	seq.s32 s10, $0x1;
	s10 =	sld [smem:$0x3FBB]  }
0x3d: {  	_ =	shalt  }
0x3e: {  	_ =	shalt  }
0x3f: {  	_ =	shalt  }
0x40: {  	_ =	shalt  }
0x41: {  	_ =	shalt  }
0x42: {  	_ =	shalt  }
0x43: {  	_ =	shalt  }
0x44: {  	_ =	shalt  }
0x45: {  	_ =	shalt  }
0x46: {  	_ =	shalt  }
0x47: {  	_ =	shalt  }
0x48: {  	_ =	shalt  }
0x49: {  	_ =	shalt  }
0x4a: {  	_ =	shalt  }
0x4b: {  	_ =	shalt  }
0x4c: {  	_ =	shalt  }
0x4d: {  	_ =	shalt  }
0x4e: {  	_ =	shalt  }
0x4f: {  	_ =	shalt  }
0x50: {  	_ =	shalt  }
0x51: {  	_ =	shalt  }
0x52: {  	_ =	shalt  }
0x53: {  	_ =	shalt  }
0x54: {  	_ =	shalt  }
0x55: {  	_ =	shalt  }
0x56: {  	_ =	shalt  }
0x57: {  	_ =	shalt  }
0x58: {  	_ =	shalt  }
0x59: {  	_ =	shalt  }
0x5a: {  	_ =	shalt  }
0x5b: {  	_ =	shalt  }
0x5c: {  	_ =	shalt  }
0x5d: {  	_ =	shalt  }
0x5e: {  	_ =	shalt  }
0x5f: {  	_ =	shalt  }
0x60: {  	_ =	shalt  }
0x61: {  	_ =	shalt  }
0x62: {  	_ =	shalt  }
0x63: {  	_ =	shalt  }
0x64: {  	_ =	shalt  }
0x65: {  	_ =	shalt  }
0x66: {  	_ =	shalt  }
0x67: {  	_ =	shalt  }
0x68: {  	_ =	shalt  }
0x69: {  	_ =	shalt  }
0x6a: {  	_ =	shalt  }
0x6b: {  	_ =	shalt  }
0x6c: {  	_ =	shalt  }
0x6d: {  	_ =	shalt  }
0x6e: {  	_ =	shalt  }
0x6f: {  	_ =	shalt  }
0x70: {  	_ =	shalt  }
0x71: {  	_ =	shalt  }
0x72: {  	_ =	shalt  }
0x73: {  	_ =	shalt  }
0x74: {  	_ =	shalt  }
0x75: {  	_ =	shalt  }
0x76: {  	_ =	shalt  }
0x77: {  	_ =	shalt  }
0x78: {  	_ =	shalt  }
0x79: {  	_ =	shalt  }
0x7a: {  	_ =	shalt  }
0x7b: {  	_ =	shalt  }
0x7c: {  	_ =	shalt  }
0x7d: {  	_ =	shalt  }
0x7e: {  	_ =	shalt  }
0x7f: {  	_ =	shalt  }
0x80: {  	_ =	shalt  }
0x81: {  	_ =	shalt  }
0x82: {  	_ =	shalt  }
0x83: {  	_ =	shalt  }
0x84: {  	_ =	shalt  }
0x85: {  	_ =	shalt  }
0x86: {  	_ =	shalt  }
0x87: {  	_ =	shalt  }
.Lfunc_end0:
.L_simem_size_0:
called_computation_lowered:
.L_overlay_start_0:
0x88: {  	s2 =	sld [smem:$0x3FD9]  }
0x89: {  	s3 =	sld [smem:$0x3FFE];
	_ =	sdelay $0x1  }
0x8a: {  	s1 =	srdreg.scid  }
0x8b: {  	s0 =	sand.u32 $0x1, s1  }
0x8c: {  	s18 =	sshll.u32 s0, $0xA;
	s2 =	sadd.s32 s3, s2  }
0x8d: {  	s2 =	sadd.s32 s2, s18  }
0x8e: {  	[smem:$0x3FC7] =	sst s2  }
0x8f: {  	_ = 	snop  }
0x90: {  	s2 =	sld [smem:$0x3FC9]  }
0x91: {  	s19 =	sld [smem:$0x3FD0];
	(tm) =	ssettm $0x1  }
0x92: {  	s4 =	sld [smem:$0x3FFB];
	_ =	sdelay $0x3  }
0x93: {  	_ =	strace s4  }
0x94: {  	s4 =	sld [smem:$0x3FFC];
	_ =	sdelay $0x3  }
0x95: {  	_ =	strace s4  }
0x96: {  	s4 =	sld [smem:$0x3FFD];
	_ =	sdelay $0x3  }
0x97: {  	_ =	strace s4  }
0x98: {  	_ =	strace $0x8FFFFFFF  }
0x99: {  	s20 =	sld [smem:$0x3FDB];
	_ =	sdelay $0x1  }
0x9a: {  	s5 =	simm.s32 $_scs_section_size  }
0x9b: {  	s6 =	simm.s32 $_size__tile_overlayer_lowered;
	s7 =	simm.s32 $_tile_overlayer_lowered  }
0x9c: {  	s23 =	simm.s32 $0x1BFF;
	s22 =	sshll.u32 s7, $0x1;
	s4 =	sadd.s32 s5, s20  }
0x9d: {  	s8 =	simm.s32 $0x0;
	s21 =	sshll.u32 s6, $0x1;
	s6 =	sadd.s32 s22, s4  }
0x9e: {  	[timem:s8], [sflag:s23] =	dma.local [hbm:s6], s21  }
0x9f: {  	_ =	swait.ge [sflag:s23], s21  }
0xa0: {  	s5 =	ssub.s32 $0x0, s21;
	[sflag:s23] =	ssyncset.done $0x0  }
0xa1: {  	[sflag:s23] =	ssyncadd.s32 s5;
	_ =	sdelay $0x1  }
0xa2: {  	s24 =	simm.s32 $0x1B8B  }
0xa3: {  	_ =	swait.ge [sflag:s24], $0x1  }
0xa4: {  	[sflag:s24] =	ssyncset.done $0x0  }
0xa5: {  	s25 =	simm.s32 $0x1B8E;
	[sflag:s24] =	ssyncadd.s32 $0xFFFFFFFF  }
0xa6: {  	s26 =	simm.s32 $execute0_lowered;
	[smem:$0x3FD2] =	sst s25  }
0xa7: {  	s5 =	sshll.u32 s26, $0x1;
	_ =	strace $0x80000046;
	[dreg:$0x1] =	wrdreg $0xFFFFFFFF  }
0xa8: {  	s28 =	simm.s32 $_size_execute0_lowered;
	s4 =	sadd.s32 s4, s5;
	[dreg:$0x0] =	wrdreg $0x0  }
0xa9: {  	s5 =	sshll.u32 s28, $0x1;
	[dreg:$0x2] =	wrdreg s4  }
0xaa: {  	[dreg:$0x3] =	wrdreg s5  }
0xab: {  	[dreg:$0x4] =	wrdreg $0xC0  }
0xac: {  	_ =	task [dreg:s8], $0x5FFFF  }
0xad: {  	[dreg:$0x1] =	wrdreg $0xFFFFFFFF  }
0xae: {  	[dreg:$0x0] =	wrdreg $0x60  }
0xaf: {  	[dreg:$0x2] =	wrdreg s2  }
0xb0: {  	[dreg:$0x3] =	wrdreg s19  }
0xb1: {  	[dreg:$0x4] =	wrdreg $0x0  }
0xb2: {  	[dreg:$0x5] =	wrdreg $0x9  }
0xb3: {  	_ =	task.clear_ibuf [dreg:s8], $0x6FFFF;
	_ =	strace $0x90000046  }
0xb4: {  	s29 =	simm.s32 $0x9;
	_ =	strace $0x80000048  }
0xb5: {  	_ =	swait.ge [sflag:s29], $0x1  }
0xb6: {  	[sflag:s29] =	ssyncadd.s32 $0xFFFFFFFF  }
0xb7: {  	_ =	strace $0x90000048  }
0xb8: {  	_ =	sfence  }
0xb9: {  	s30 =	sld [smem:$0x0];
	_ =	sdelay $0x2  }
0xba: {  	s31 =	sshll.u32 s1, $0xD;
	s1 =	sshrl.u32 s1, $0x2  }
0xbb: {  	s3 =	sand.u32 $0x4000, s31;
	s1 =	sadd.s32 s1, s30  }
0xbc: {  	s0 =	sor.u32 s3, s0;
	s1 =	sshll.u32 s1, $0x11  }
0xbd: {  	s0 =	sor.u32 s1, s0  }
0xbe: {  	s0 =	sadd.s32 $0x8F2B, s0  }
0xbf: {  	[sflag:s0] =	ssyncadd.remote.s32 $0x1  }
0xc0: {  	_ =	sfence.sel $0xFFFF  }
0xc1: {  	[dreg:$0x0] =	wrdreg $0xFFFFFFFF;
	(pc) =	sbr.abs _section_cstart, $3  }
0xc2: {  	[dreg:$0x1] =	wrdreg $0xFFFFFFFF  }
0xc3: {  	_ =	task.clear_ibuf [dreg:s8], $0x2FFFF;
	_ =	strace $0x9FFFFFFF  }
0xc4: {  	(tm) =	ssettm $0x7FFFFFFF  }
0xc5: {  	_ =	shalt  }
tec
execute0_lowered:
.L_overlay_start_1:
0x0: {  	(tag) =	ssettag $0x1  }
0x1: {  	s1 =	rddreg [dreg:$0x0]  }
0x2: {  	s0 =	srdreg.scid;
	s4 =	rddreg [dreg:$0x1]  }
0x3: {  	s16 =	stileid.u32;
	s2 =	rddreg [dreg:$0x2]  }
0x4: {  	s18 =	simm.s32 $0x2F8;
	s19 =	simm.s32 $0x378;
	s20 =	simm.s32 $0x3F8  }
0x5: {  	s21 =	simm.s32 $0x478;
	s22 =	simm.s32 $0x1;
	s7 =	smul.u32 $0xFA0, s16  }
0x6: {  	s28 =	simm.s32 $0x4;
	s29 =	simm.s32 $0x5;
	s9 =	smul.u32 $0x3E8, s16  }
0x7: {  	s30 =	simm.s32 $0x6;
	s0 =	sand.u32 $0x1, s0;
	s10 =	smul.u32 $0x2800, s16  }
0x8: {  	s31 =	simm.s32 $0x7;
	p0 =	sgt.u32 s16, $0x9;
	s23 =	smul.u32 $0x28000, s0  }
0x9: {  	s3 =	sshll.u32 s0, $0x4;
	s6 =	ssub.s32 $0x2, s0;
	s0 =	smul.u32 $0x2710, s0  }
0xa: {  	s3 =	sor.u32 s16, s3;
	s8 =	sshrl.u32 s6, $0x1;
	s24 =	sshrl.u32 s7, $0x2  }
0xb: {  	s5 =	smul.u32 $0x2800, s3;
	s3 =	simm.s32 $0x0;
	s11 =	ssub.s32 s6, s8  }
0xc: {  	s6 =	sadd.s32 s24, s2;
	s13 =	sadd.s32 s10, s23;
	s0 =	sadd.s32 s9, s0  }
0xd: {  	s9 =	sadd.s32 s9, s2;
	s23 =	simm.s32 $0x40;
	s24 =	simm.s32 $0x278  }
0xe: {  	[smem:$0x7FF] =	sst s3;
	s10 =	sor.u32 $0x1C0, s13;
	s0 =	sshrl.u32 s0, $0x3  }
0xf: {  	s11 =	smax.u32 s11, $0x1;
	s25 =	sor.u32 $0x180, s13;
	s26 =	sor.u32 $0x140, s13  }
0x10: {  	s13 =	sor.u32 $0x100, s13;
	_ =	strace $0x80000047;
	s5 =	sshrl.u32 s5, $0x3  }
0x11: {  	[dreg:$0x4] =	wrdreg s6;
	s12 =	sshrl.u32 s10, $0x3;
	s10 =	sadd.s32 s4, s0  }
0x12: {  	s0 =	sshrl.u32 s25, $0x3;
	s4 =	sshrl.u32 s26, $0x3;
	s15 =	sshrl.u32 s13, $0x3  }
0x13: {  	s25 =	simm.s32 $0x2;
	s26 =	simm.s32 $0x3;
	s5 =	sadd.s32 s1, s5  }
0x14: {  	s12 =	sadd.s32 s12, s1;
	s13 =	sadd.s32 s0, s1;
	s14 =	sadd.s32 s4, s1  }
0x15: {  	s15 =	sadd.s32 s15, s1;
	s1 =	simm.s32 $0x8;
	s0 =	simm.s32 $0x0  }
0x16: {  	v0 =	vimm.f32 $1.000000000e+00;
	v1 =	vimm.f32 $0.0e+00;
	s6 =	sadd.s32 $0x8, s5;
	s7 =	sadd.s32 $0x10, s5;
	s8 =	sadd.s32 $0x18, s5  }
.LBB2_1:
.Ltmp0:
0x17: {  	(pc) =	sbr.rel @p0 .LBB2_5-.Ltmp0, $4  }
0x18: {  	[tilespmem:$0x278] =	vst v0  }
0x19: {  	[tilespmem:$0x288] =	vst v0  }
0x1a: {  	[tilespmem:$0x298] =	vst v0  }
0x1b: {  	[tilespmem:$0x2A8] =	vst v0  }
0x1c: {  	s4 =	simm.s32 $0x40;
	s16 =	simm.s32 $0x0  }
.LBB2_3:
0x1d: {  	p1 =	sne.s32 s4, $0xF80;
	[tilespmem:s16+$0x4F8] =	vst v1;
	s16 =	smov.u32 s4;
	s4 =	sadd.s32 $0x40, s4  }
.Ltmp1:
0x1e: {  	(pc) =	sbr.rel @p1 .LBB2_3-.Ltmp1, $2  }
0x1f: {  	_ =	sdelay $0x2  }
0x20: {  	s16 =	sshra.s32 s16, $0x2  }
0x21: {  	[tilespmem:s16+$0x4F8] =	vst v1;
	s4 =	rddreg [dreg:$0x4];
	s17 =	simm.s32 $0x4F8  }
0x22: {  	[spmem:s4] =	stream.linear.scatter [tilespmem:s17], [sflag:$0x9], $0x3E8, $0x38;
	[tilespmem:$0x8F8] =	vst v63  }
0x23: {  	s17 =	simm.s32 $0x9  }
0x24: {  	_ =	swait.ge [sflag:s17], $0x3E8  }
0x25: {  	[sflag:s17] =	ssyncset.done $0x0  }
0x26: {  	[sflag:s17] =	ssyncadd.s32 $0xFFFFFC18  }
.LBB2_5:
0x27: {  	[bflag:$0x0] =	sbarrier.arrive $0xFFFF;
	s4 =	simm.s32 $0x0  }
0x28: {  	[tilespmem:s18], [sflag:$0x1] =	stream.linear.gather [hbm4b:s5+s4], $0x40, $0x38;
	[tilespmem:$0x8F8] =	vst v63  }
0x29: {  	_ = 	snop  }
0x2a: {  	[tilespmem:s19], [sflag:$0x2] =	stream.linear.gather [hbm4b:s6+s4], $0x40, $0x38;
	[tilespmem:$0x8F8] =	vst v63  }
0x2b: {  	_ = 	snop  }
0x2c: {  	[tilespmem:s20], [sflag:$0x3] =	stream.linear.gather [hbm4b:s7+s4], $0x40, $0x38;
	[tilespmem:$0x8F8] =	vst v63  }
0x2d: {  	_ = 	snop  }
0x2e: {  	[tilespmem:s21], [sflag:$0x4] =	stream.linear.gather [hbm4b:s8+s4], $0x40, $0x38;
	[tilespmem:$0x8F8] =	vst v63  }
0x2f: {  	_ =	swait.ge [sflag:s22], $0x40  }
0x30: {  	[sflag:s22] =	ssyncset.done $0x0  }
0x31: {  	[sflag:s22] =	ssyncadd.s32 $0xFFFFFFC0  }
0x32: {  	[spmem:s2] =	stream.indirect.scatter.add.f32 [tilespmem:s24], [sflag:$0x5], $0x1, s18, s23, $0xb8;
	[tilespmem:$0x8F8] =	vst v63  }
0x33: {  	_ =	swait.ge [sflag:s25], $0x40  }
0x34: {  	[sflag:s25] =	ssyncset.done $0x0  }
0x35: {  	[sflag:s25] =	ssyncadd.s32 $0xFFFFFFC0  }
0x36: {  	[spmem:s2] =	stream.indirect.scatter.add.f32 [tilespmem:s24], [sflag:$0x6], $0x1, s19, s23, $0xb8;
	[tilespmem:$0x8F8] =	vst v63  }
0x37: {  	_ =	swait.ge [sflag:s26], $0x40  }
0x38: {  	[sflag:s26] =	ssyncset.done $0x0  }
0x39: {  	[sflag:s26] =	ssyncadd.s32 $0xFFFFFFC0  }
0x3a: {  	[spmem:s2] =	stream.indirect.scatter.add.f32 [tilespmem:s24], [sflag:$0x7], $0x1, s20, s23, $0xb8;
	[tilespmem:$0x8F8] =	vst v63  }
0x3b: {  	_ =	swait.ge [sflag:s28], $0x40  }
0x3c: {  	[sflag:s28] =	ssyncset.done $0x0  }
0x3d: {  	[sflag:s28] =	ssyncadd.s32 $0xFFFFFFC0  }
0x3e: {  	[spmem:s2] =	stream.indirect.scatter.add.f32 [tilespmem:s24], [sflag:$0x8], $0x1, s21, s23, $0xb8;
	[tilespmem:$0x8F8] =	vst v63  }
0x3f: {  	_ =	swait.ge [sflag:s29], $0x40  }
0x40: {  	[sflag:s29] =	ssyncset.done $0x0  }
0x41: {  	s17 =	sadd.s32 $0x0, s15;
	[sflag:s29] =	ssyncadd.s32 $0xFFFFFFC0  }
0x42: {  	[tilespmem:s18], [sflag:$0x1] =	stream.linear.gather [hbm4b:s17+s3], $0x40, $0x38;
	[tilespmem:$0x8F8] =	vst v63  }
0x43: {  	_ =	swait.ge [sflag:s30], $0x40  }
0x44: {  	[sflag:s30] =	ssyncset.done $0x0  }
0x45: {  	s16 =	sadd.s32 $0x0, s14;
	[sflag:s30] =	ssyncadd.s32 $0xFFFFFFC0  }
0x46: {  	[tilespmem:s19], [sflag:$0x2] =	stream.linear.gather [hbm4b:s16+s3], $0x40, $0x38;
	[tilespmem:$0x8F8] =	vst v63  }
0x47: {  	_ =	swait.ge [sflag:s31], $0x40  }
0x48: {  	[sflag:s31] =	ssyncset.done $0x0  }
0x49: {  	s17 =	sadd.s32 $0x0, s13;
	[sflag:s31] =	ssyncadd.s32 $0xFFFFFFC0  }
0x4a: {  	[tilespmem:s20], [sflag:$0x3] =	stream.linear.gather [hbm4b:s17+s3], $0x40, $0x38;
	[tilespmem:$0x8F8] =	vst v63  }
0x4b: {  	_ =	swait.ge [sflag:s1], $0x40  }
0x4c: {  	[sflag:s1] =	ssyncset.done $0x0  }
0x4d: {  	s4 =	sadd.s32 $0x0, s12;
	s16 =	simm.s32 $0x20;
	[sflag:s1] =	ssyncadd.s32 $0xFFFFFFC0  }
.LBB2_6:
0x4e: {  	[tilespmem:s21], [sflag:$0x4] =	stream.linear.gather [hbm4b:s4+s3], $0x40, $0x38;
	[tilespmem:$0x8F8] =	vst v63  }
0x4f: {  	s4 =	smov.u32 s16  }
0x50: {  	p1 =	sne.s32 s16, $0x4C0;
	s16 =	sadd.s32 $0x20, s16;
	_ =	swait.ge [sflag:s22], $0x40  }
0x51: {  	[sflag:s22] =	ssyncset.done $0x0  }
0x52: {  	[sflag:s22] =	ssyncadd.s32 $0xFFFFFFC0  }
0x53: {  	[spmem:s2] =	stream.indirect.scatter.add.f32 [tilespmem:s24], [sflag:$0x5], $0x1, s18, s23, $0xb8;
	[tilespmem:$0x8F8] =	vst v63  }
0x54: {  	_ =	swait.ge [sflag:s25], $0x40  }
0x55: {  	[sflag:s25] =	ssyncset.done $0x0  }
0x56: {  	[sflag:s25] =	ssyncadd.s32 $0xFFFFFFC0  }
0x57: {  	[spmem:s2] =	stream.indirect.scatter.add.f32 [tilespmem:s24], [sflag:$0x6], $0x1, s19, s23, $0xb8;
	[tilespmem:$0x8F8] =	vst v63  }
0x58: {  	_ =	swait.ge [sflag:s26], $0x40  }
0x59: {  	[sflag:s26] =	ssyncset.done $0x0  }
0x5a: {  	[sflag:s26] =	ssyncadd.s32 $0xFFFFFFC0  }
0x5b: {  	[spmem:s2] =	stream.indirect.scatter.add.f32 [tilespmem:s24], [sflag:$0x7], $0x1, s20, s23, $0xb8;
	[tilespmem:$0x8F8] =	vst v63  }
0x5c: {  	_ =	swait.ge [sflag:s28], $0x40  }
0x5d: {  	[sflag:s28] =	ssyncset.done $0x0  }
0x5e: {  	[sflag:s28] =	ssyncadd.s32 $0xFFFFFFC0  }
0x5f: {  	[spmem:s2] =	stream.indirect.scatter.add.f32 [tilespmem:s24], [sflag:$0x8], $0x1, s21, s23, $0xb8;
	[tilespmem:$0x8F8] =	vst v63  }
0x60: {  	_ =	swait.ge [sflag:s29], $0x40  }
0x61: {  	[sflag:s29] =	ssyncset.done $0x0  }
0x62: {  	s17 =	sadd.s32 s4, s15;
	[sflag:s29] =	ssyncadd.s32 $0xFFFFFFC0  }
0x63: {  	[tilespmem:s18], [sflag:$0x1] =	stream.linear.gather [hbm4b:s17+s3], $0x40, $0x38;
	[tilespmem:$0x8F8] =	vst v63  }
0x64: {  	_ =	swait.ge [sflag:s30], $0x40  }
0x65: {  	[sflag:s30] =	ssyncset.done $0x0  }
0x66: {  	s17 =	sadd.s32 s4, s14;
	[sflag:s30] =	ssyncadd.s32 $0xFFFFFFC0  }
0x67: {  	[tilespmem:s19], [sflag:$0x2] =	stream.linear.gather [hbm4b:s17+s3], $0x40, $0x38;
	[tilespmem:$0x8F8] =	vst v63  }
0x68: {  	_ =	swait.ge [sflag:s31], $0x40  }
0x69: {  	[sflag:s31] =	ssyncset.done $0x0  }
.Ltmp2:
0x6a: {  	s17 =	sadd.s32 s4, s13;
	[sflag:s31] =	ssyncadd.s32 $0xFFFFFFC0;
	(pc) =	sbr.rel @p1 .LBB2_6-.Ltmp2, $4  }
0x6b: {  	[tilespmem:s20], [sflag:$0x3] =	stream.linear.gather [hbm4b:s17+s3], $0x40, $0x38;
	[tilespmem:$0x8F8] =	vst v63  }
0x6c: {  	_ =	swait.ge [sflag:s1], $0x40  }
0x6d: {  	[sflag:s1] =	ssyncset.done $0x0  }
0x6e: {  	s4 =	sadd.s32 s4, s12;
	[sflag:s1] =	ssyncadd.s32 $0xFFFFFFC0  }
0x6f: {  	[tilespmem:s21], [sflag:$0x4] =	stream.linear.gather [hbm4b:s4+s3], $0x40, $0x38;
	[tilespmem:$0x8F8] =	vst v63  }
0x70: {  	_ =	swait.ge [sflag:s22], $0x40  }
0x71: {  	[sflag:s22] =	ssyncset.done $0x0  }
0x72: {  	[sflag:s22] =	ssyncadd.s32 $0xFFFFFFC0  }
0x73: {  	[spmem:s2] =	stream.indirect.scatter.add.f32 [tilespmem:s24], [sflag:$0x5], $0x1, s18, s23, $0xb8;
	[tilespmem:$0x8F8] =	vst v63  }
0x74: {  	_ =	swait.ge [sflag:s25], $0x40  }
0x75: {  	[sflag:s25] =	ssyncset.done $0x0  }
0x76: {  	[sflag:s25] =	ssyncadd.s32 $0xFFFFFFC0  }
0x77: {  	[spmem:s2] =	stream.indirect.scatter.add.f32 [tilespmem:s24], [sflag:$0x6], $0x1, s19, s23, $0xb8;
	[tilespmem:$0x8F8] =	vst v63  }
0x78: {  	_ =	swait.ge [sflag:s26], $0x40  }
0x79: {  	[sflag:s26] =	ssyncset.done $0x0  }
0x7a: {  	[sflag:s26] =	ssyncadd.s32 $0xFFFFFFC0  }
0x7b: {  	[spmem:s2] =	stream.indirect.scatter.add.f32 [tilespmem:s24], [sflag:$0x7], $0x1, s20, s23, $0xb8;
	[tilespmem:$0x8F8] =	vst v63  }
0x7c: {  	_ =	swait.ge [sflag:s28], $0x40  }
0x7d: {  	[sflag:s28] =	ssyncset.done $0x0  }
0x7e: {  	[sflag:s28] =	ssyncadd.s32 $0xFFFFFFC0  }
0x7f: {  	[spmem:s2] =	stream.indirect.scatter.add.f32 [tilespmem:s24], [sflag:$0x8], $0x1, s21, s23, $0xb8;
	[tilespmem:$0x8F8] =	vst v63  }
0x80: {  	_ =	swait.ge [sflag:s29], $0x40  }
0x81: {  	[sflag:s29] =	ssyncset.done $0x0  }
0x82: {  	[sflag:s29] =	ssyncadd.s32 $0xFFFFFFC0  }
0x83: {  	_ =	swait.ge [sflag:s30], $0x40  }
0x84: {  	[sflag:s30] =	ssyncset.done $0x0  }
0x85: {  	[sflag:s30] =	ssyncadd.s32 $0xFFFFFFC0  }
0x86: {  	_ =	swait.ge [sflag:s31], $0x40  }
0x87: {  	[sflag:s31] =	ssyncset.done $0x0  }
0x88: {  	[sflag:s31] =	ssyncadd.s32 $0xFFFFFFC0  }
0x89: {  	_ =	swait.ge [sflag:s1], $0x40  }
0x8a: {  	[sflag:s1] =	ssyncset.done $0x0  }
0x8b: {  	[sflag:s1] =	ssyncadd.s32 $0xFFFFFFC0  }
0x8c: {  	s4 =	simm.s32 @!p0 $0x4F8;
	s16 =	simm.s32 @!p0 $0x9;
	[bflag:$0x0] =	sbarrier.arrive $0xFFFF  }
0x8d: {  	[tilespmem:s4], [sflag:$0x9] =	stream.linear.gather @!p0 [spmem:s9], $0x3E8, $0x38;
	[tilespmem:$0x8F8] =	vst v63  }
0x8e: {  	s0 =	sadd.s32 $0x1, s0;
	_ =	swait.ge @!p0 [sflag:s16], $0x3E8  }
0x8f: {  	p1 =	sne.s32 s0, s11;
	[sflag:s16] =	ssyncset.done @!p0 $0x0  }
.Ltmp3:
0x90: {  	s17 =	simm.s32 @!p0 $0x0;
	[sflag:s16] =	ssyncadd.s32 @!p0 $0xFFFFFC18;
	(pc) =	sbr.rel @p1 .LBB2_1-.Ltmp3, $4  }
0x91: {  	[hbm4b:s10+s17] =	stream.linear.scatter @!p0 [tilespmem:s4], [sflag:$0x9], $0x3E8, $0x38;
	[tilespmem:$0x8F8] =	vst v63  }
0x92: {  	_ =	swait.ge @!p0 [sflag:s16], $0x3E8  }
0x93: {  	[sflag:s16] =	ssyncset.done @!p0 $0x0  }
0x94: {  	[sflag:s16] =	ssyncadd.s32 @!p0 $0xFFFFFC18  }
0x95: {  	_ =	sfence.sel $0x180000  }
0x96: {  	[bflag:$0x0] =	sbarrier.arrive $0xFFFF  }
0x97: {  	_ =	strace $0x90000047  }
0x98: {  	s0 =	stileid.u32;
	[bflag:$0x2] =	sbarrier.arrive $0xFFFF  }
0x99: {  	p0 =	sne.s32 s0, $0x0;
	s0 =	rddreg [dreg:$0x3]  }
0x9a: {  	s0 =	sadd.s32 @!p0 $0x100000, s0  }
0x9b: {  	[sflag:s0] =	ssyncadd.tile.s32 @!p0 $0x1;
	_ =	shalt  }
.Lfunc_end2:
_tile_overlayer_lowered:
.L_overlay_start_2:
0x9c: {  	(tag) =	ssettag $0x2  }
0x9d: {  	s0 =	rddreg [dreg:$0x0];
	s2 =	stileid.u32  }
0x9e: {  	s1 =	rddreg [dreg:$0x1];
	p0 =	sne.s32 s2, $0x0  }
0x9f: {  	s3 =	rddreg [dreg:$0x2];
	[bflag:$0x3] =	sbarrier.arrive $0xFFFF;
	s2 =	simm.s32 @!p0 $0x1C09  }
0xa0: {  	[timem:s3], [sflag:s2] =	dma.local @!p0 [hbm:s0], s1  }
0xa1: {  	s0 =	simm.s32 @!p0 $0x9  }
0xa2: {  	_ =	swait.ge @!p0 [sflag:s0], s1  }
0xa3: {  	s1 =	ssub.s32 @!p0 $0x0, s1;
	[sflag:s0] =	ssyncset.done @!p0 $0x0  }
0xa4: {  	[sflag:s0] =	ssyncadd.s32 @!p0 s1  }
0xa5: {  	[bflag:$0x3] =	sbarrier.arrive $0xFFFF  }
0xa6: {  	_ =	shalt  }

</sc_bundles>
